<compile_context>
chip_gen: v7x
topology: tpu7x:2x2x1
jax: 0.10.2.dev20260603
libtpu: 0.0.44.dev20260713+nightly
codegen_flags: <defaults>
</compile_context>

<pallas_src>
import functools
import math

import jax
import jax.numpy as jnp
from jax import lax
from jax.experimental import pallas as pl
from jax.experimental.pallas import tpu as pltpu
from jax.experimental.pallas import tpu_sc as plsc

_BATCH = 16384
_C = 10.0
_D = 400.0
_K = math.log(_C) / _D

_NUM_WORKERS = 32
_CHUNK = _BATCH // _NUM_WORKERS
_LANES = 16


@functools.partial(
    pl.kernel,
    mesh=plsc.VectorSubcoreMesh(core_axis_name="c", subcore_axis_name="s"),
    out_type=jax.ShapeDtypeStruct((_BATCH,), jnp.float32),
    scratch_types=[
        pltpu.VMEM((_CHUNK,), jnp.int32),
        pltpu.VMEM((_CHUNK,), jnp.int32),
        pltpu.VMEM((_CHUNK,), jnp.float32),
        pltpu.VMEM((_CHUNK,), jnp.float32),
        pltpu.VMEM((_CHUNK,), jnp.float32),
        pltpu.SemaphoreType.DMA,
        pltpu.SemaphoreType.DMA,
    ],
)
def _elo_sc(matches_hbm, rating_hbm, out_hbm,
            idx_h, idx_a, gath_h, gath_a, out_v, s_h, s_a):
    wid = lax.axis_index("s") * 2 + lax.axis_index("c")
    base = wid * _CHUNK
    c_h = pltpu.async_copy(matches_hbm.at[0, pl.ds(base, _CHUNK)], idx_h, s_h)
    c_a = pltpu.async_copy(matches_hbm.at[1, pl.ds(base, _CHUNK)], idx_a, s_a)
    c_h.wait()
    g_h = pltpu.async_copy(rating_hbm.at[idx_h], gath_h, s_h)
    c_a.wait()
    g_a = pltpu.async_copy(rating_hbm.at[idx_a], gath_a, s_a)
    g_h.wait()
    g_a.wait()

    def body(i, _):
        off = i * _LANES
        hr = gath_h[pl.ds(off, _LANES)]
        ar = gath_a[pl.ds(off, _LANES)]
        out_v[pl.ds(off, _LANES)] = 1.0 / (1.0 + jnp.exp((ar - hr) * _K))
        return 0

    lax.fori_loop(0, _CHUNK // _LANES, body, 0)
    pltpu.async_copy(out_v, out_hbm.at[pl.ds(base, _CHUNK)], s_h).wait()


def kernel(matches, rating):
    return _elo_sc(matches, rating)

# --- scband reference (transcript-rebuilt; emitter-appended) ---
"""Pipeline reference for scband-elo-manual-78288663872044 (READ-ONLY COPY).

The authoritative reference and input builder live on the scoring server;
editing this copy changes nothing except your own understanding.
"""

import jax, jax.numpy as jnp
import numpy as np

TEAM_COUNT = 1000000
DEFAULT = 1000.0
C = 10.0
D = 400.0
BATCH = 16384


def setup_inputs(seed: int = 0) -> dict:
    key = jax.random.key(seed)
    k1, _ = jax.random.split(key)
    # matches: row 0 = home team indices, row 1 = away team indices
    matches = jax.random.randint(k1, (2, BATCH), 0, TEAM_COUNT, dtype=jnp.int32)
    # learned / persistent state: the Elo rating table, initialized to `default`
    rating = jnp.zeros((TEAM_COUNT,), dtype=jnp.float32) + DEFAULT
    return {"matches": matches, "rating": rating}


def reference(matches, rating):
    # self.home, self.away = matches
    home = matches[0]
    away = matches[1]
    # gather ratings (SparseCore-style row gather from a large table)
    home_rating = jnp.take(rating, home, axis=0)
    away_rating = jnp.take(rating, away, axis=0)
    # E_H = 1 / (1 + c ** ((away_rating - home_rating) / d))
    e_h = 1.0 / (1.0 + jnp.power(C, (away_rating - home_rating) / D))
    return e_h

if __name__ == "__main__":
    import jax
    _d = setup_inputs()
    print(jax.jit(kernel)(*tuple(_d.values())))

</pallas_src>

<mosaic_0001>
#map = affine_map<(d0, d1) -> (0, 0)>
#map1 = affine_map<(d0, d1) -> (0)>
module attributes {stable_mosaic.version = 14 : i64} {
  func.func @_elo_sc(%arg0: i32, %arg1: i32, %arg2: memref<2x16384xi32, #tpu.memory_space<hbm>>, %arg3: memref<1000000xf32, #tpu.memory_space<hbm>>, %arg4: memref<16384xf32, #tpu.memory_space<hbm>>, %arg5: memref<512xi32, #tpu.memory_space<vmem>>, %arg6: memref<512xi32, #tpu.memory_space<vmem>>, %arg7: memref<512xf32, #tpu.memory_space<vmem>>, %arg8: memref<512xf32, #tpu.memory_space<vmem>>, %arg9: memref<512xf32, #tpu.memory_space<vmem>>, %arg10: memref<!tpu.dma_semaphore, #tpu.memory_space<semaphore_mem>>, %arg11: memref<!tpu.dma_semaphore, #tpu.memory_space<semaphore_mem>>) attributes {dimension_semantics = [#tpu.dimension_semantics<core_parallel>, #tpu.dimension_semantics<subcore_parallel>], iteration_bounds = array<i64: 2, 16>, scalar_prefetch = 0 : i64, scratch_operands = 7 : i64, tpu.core_type = #tpu.core_type<sc_vector_subcore>, window_params = [{transform_indices = #map}, {transform_indices = #map1}, {transform_indices = #map1}]} {
    %mul3A = arith.constant 2 : i32
    %mul3A_0 = arith.muli %arg1, %mul3A : i32
    %add3A = arith.addi %mul3A_0, %arg0 : i32
    %mul3A_1 = arith.constant 512 : i32
    %mul3A_2 = arith.muli %add3A, %mul3A_1 : i32
    %dma_start3A = arith.constant 0 : i32
    %dma_start3A_3 = tpu.memref_slice %arg2[%dma_start3A, %mul3A_2] : memref<2x16384xi32, #tpu.memory_space<hbm>> -> memref<1x512xi32, #tpu.memory_space<hbm>>
    %dma_start3A_4 = tpu.memref_squeeze %dma_start3A_3 : memref<1x512xi32, #tpu.memory_space<hbm>> -> memref<512xi32, #tpu.memory_space<hbm>>
    %dma_start3A_5 = tpu.memref_slice %arg2[%dma_start3A, %mul3A_2] : memref<2x16384xi32, #tpu.memory_space<hbm>> -> memref<1x512xi32, #tpu.memory_space<hbm>>
    %dma_start3A_6 = tpu.memref_squeeze %dma_start3A_5 : memref<1x512xi32, #tpu.memory_space<hbm>> -> memref<512xi32, #tpu.memory_space<hbm>>
    tpu.enqueue_dma source(%dma_start3A_6 : memref<512xi32, #tpu.memory_space<hbm>>) target(%arg5 : memref<512xi32, #tpu.memory_space<vmem>>) target_semaphore(%arg10 : memref<!tpu.dma_semaphore, #tpu.memory_space<semaphore_mem>>)
    %dma_start3A_7 = arith.constant 1 : i32
    %dma_start3A_8 = tpu.memref_slice %arg2[%dma_start3A_7, %mul3A_2] : memref<2x16384xi32, #tpu.memory_space<hbm>> -> memref<1x512xi32, #tpu.memory_space<hbm>>
    %dma_start3A_9 = tpu.memref_squeeze %dma_start3A_8 : memref<1x512xi32, #tpu.memory_space<hbm>> -> memref<512xi32, #tpu.memory_space<hbm>>
    %dma_start3A_10 = tpu.memref_slice %arg2[%dma_start3A_7, %mul3A_2] : memref<2x16384xi32, #tpu.memory_space<hbm>> -> memref<1x512xi32, #tpu.memory_space<hbm>>
    %dma_start3A_11 = tpu.memref_squeeze %dma_start3A_10 : memref<1x512xi32, #tpu.memory_space<hbm>> -> memref<512xi32, #tpu.memory_space<hbm>>
    tpu.enqueue_dma source(%dma_start3A_11 : memref<512xi32, #tpu.memory_space<hbm>>) target(%arg6 : memref<512xi32, #tpu.memory_space<vmem>>) target_semaphore(%arg11 : memref<!tpu.dma_semaphore, #tpu.memory_space<semaphore_mem>>)
    %dma_wait3A = arith.constant 0 : i32
    %dma_wait3A_12 = tpu.memref_slice %arg2[%dma_wait3A, %mul3A_2] : memref<2x16384xi32, #tpu.memory_space<hbm>> -> memref<1x512xi32, #tpu.memory_space<hbm>>
    %dma_wait3A_13 = tpu.memref_squeeze %dma_wait3A_12 : memref<1x512xi32, #tpu.memory_space<hbm>> -> memref<512xi32, #tpu.memory_space<hbm>>
    %dma_wait3A_14 = tpu.memref_slice %arg2[%dma_wait3A, %mul3A_2] : memref<2x16384xi32, #tpu.memory_space<hbm>> -> memref<1x512xi32, #tpu.memory_space<hbm>>
    %dma_wait3A_15 = tpu.memref_squeeze %dma_wait3A_14 : memref<1x512xi32, #tpu.memory_space<hbm>> -> memref<512xi32, #tpu.memory_space<hbm>>
    tpu.wait_dma2 semaphore(%arg10 : memref<!tpu.dma_semaphore, #tpu.memory_space<semaphore_mem>>) src(%dma_wait3A_15 : memref<512xi32, #tpu.memory_space<hbm>>) dst(%arg5 : memref<512xi32, #tpu.memory_space<vmem>>)
    %dma_start3A_16 = arith.constant 0 : i32
    %dma_start3A_17 = tpu.memref_slice %arg3[%dma_start3A_16] : memref<1000000xf32, #tpu.memory_space<hbm>> -> memref<1000000xf32, #tpu.memory_space<hbm>>
    tpu.enqueue_indirect_dma source(%dma_start3A_17 : memref<1000000xf32, #tpu.memory_space<hbm>>) target(%arg7 : memref<512xf32, #tpu.memory_space<vmem>>) offsets(%arg5 : memref<512xi32, #tpu.memory_space<vmem>>) semaphore(%arg10 : memref<!tpu.dma_semaphore, #tpu.memory_space<semaphore_mem>>)
    %dma_wait3A_18 = arith.constant 1 : i32
    %dma_wait3A_19 = tpu.memref_slice %arg2[%dma_wait3A_18, %mul3A_2] : memref<2x16384xi32, #tpu.memory_space<hbm>> -> memref<1x512xi32, #tpu.memory_space<hbm>>
    %dma_wait3A_20 = tpu.memref_squeeze %dma_wait3A_19 : memref<1x512xi32, #tpu.memory_space<hbm>> -> memref<512xi32, #tpu.memory_space<hbm>>
    %dma_wait3A_21 = tpu.memref_slice %arg2[%dma_wait3A_18, %mul3A_2] : memref<2x16384xi32, #tpu.memory_space<hbm>> -> memref<1x512xi32, #tpu.memory_space<hbm>>
    %dma_wait3A_22 = tpu.memref_squeeze %dma_wait3A_21 : memref<1x512xi32, #tpu.memory_space<hbm>> -> memref<512xi32, #tpu.memory_space<hbm>>
    tpu.wait_dma2 semaphore(%arg11 : memref<!tpu.dma_semaphore, #tpu.memory_space<semaphore_mem>>) src(%dma_wait3A_22 : memref<512xi32, #tpu.memory_space<hbm>>) dst(%arg6 : memref<512xi32, #tpu.memory_space<vmem>>)
    %dma_start3A_23 = arith.constant 0 : i32
    %dma_start3A_24 = tpu.memref_slice %arg3[%dma_start3A_23] : memref<1000000xf32, #tpu.memory_space<hbm>> -> memref<1000000xf32, #tpu.memory_space<hbm>>
    tpu.enqueue_indirect_dma source(%dma_start3A_24 : memref<1000000xf32, #tpu.memory_space<hbm>>) target(%arg8 : memref<512xf32, #tpu.memory_space<vmem>>) offsets(%arg6 : memref<512xi32, #tpu.memory_space<vmem>>) semaphore(%arg11 : memref<!tpu.dma_semaphore, #tpu.memory_space<semaphore_mem>>)
    %dma_wait3A_25 = arith.constant 0 : i32
    %dma_wait3A_26 = tpu.memref_slice %arg3[%dma_wait3A_25] : memref<1000000xf32, #tpu.memory_space<hbm>> -> memref<1000000xf32, #tpu.memory_space<hbm>>
    tpu.wait_indirect_dma semaphore(%arg10 : memref<!tpu.dma_semaphore, #tpu.memory_space<semaphore_mem>>) src(%dma_wait3A_26 : memref<1000000xf32, #tpu.memory_space<hbm>>) dst(%arg7 : memref<512xf32, #tpu.memory_space<vmem>>)
    %dma_wait3A_27 = arith.constant 0 : i32
    %dma_wait3A_28 = tpu.memref_slice %arg3[%dma_wait3A_27] : memref<1000000xf32, #tpu.memory_space<hbm>> -> memref<1000000xf32, #tpu.memory_space<hbm>>
    tpu.wait_indirect_dma semaphore(%arg11 : memref<!tpu.dma_semaphore, #tpu.memory_space<semaphore_mem>>) src(%dma_wait3A_28 : memref<1000000xf32, #tpu.memory_space<hbm>>) dst(%arg8 : memref<512xf32, #tpu.memory_space<vmem>>)
    %scan3A = arith.constant 0 : i32
    %scan3A_29 = arith.constant 0 : i32
    %scan3A_30 = arith.constant 32 : i32
    %scan3A_31 = arith.addi %scan3A_29, %scan3A_30 : i32
    %scan3A_32 = arith.constant 1 : i32
    %scan3A_33 = scf.for %scan3A_39 = %scan3A_29 to %scan3A_31 step %scan3A_32 iter_args(%scan3A_40 = %scan3A) -> (i32)  : i32 {
      %mul3A_41 = arith.constant 16 : i32
      %mul3A_42 = arith.muli %scan3A_39, %mul3A_41 : i32
      %get3A = arith.index_cast %mul3A_42 : i32 to index
      %get3A_43 = tpu.vector_load %arg7[%get3A] {strides = array<i32>} : memref<512xf32, #tpu.memory_space<vmem>>, vector<16xf32>,
      %get3A_44 = vector.shape_cast %get3A_43 : vector<16xf32> to vector<16xf32>
      %get3A_45 = arith.index_cast %mul3A_42 : i32 to index
      %get3A_46 = tpu.vector_load %arg8[%get3A_45] {strides = array<i32>} : memref<512xf32, #tpu.memory_space<vmem>>, vector<16xf32>,
      %get3A_47 = vector.shape_cast %get3A_46 : vector<16xf32> to vector<16xf32>
      %sub3A = arith.subf %get3A_47, %get3A_44 : vector<16xf32>
      %mul3A_48 = arith.constant 0.00575646292 : f32
      %mul3A_49 = vector.broadcast %mul3A_48 : f32 to vector<16xf32>
      %mul3A_50 = arith.mulf %sub3A, %mul3A_49 : vector<16xf32>
      %exp3A = math.exp %mul3A_50 : vector<16xf32>
      %add3A_51 = arith.constant 1.000000e+00 : f32
      %add3A_52 = vector.broadcast %add3A_51 : f32 to vector<16xf32>
      %add3A_53 = arith.addf %add3A_52, %exp3A : vector<16xf32>
      %div3A = arith.constant 1.000000e+00 : f32
      %div3A_54 = vector.broadcast %div3A : f32 to vector<16xf32>
      %div3A_55 = arith.divf %div3A_54, %add3A_53 : vector<16xf32>
      %swap3A = arith.index_cast %mul3A_42 : i32 to index
      %swap3A_56 = tpu.vector_load %arg9[%swap3A] {strides = array<i32>} : memref<512xf32, #tpu.memory_space<vmem>>, vector<16xf32>,
      %swap3A_57 = vector.shape_cast %swap3A_56 : vector<16xf32> to vector<16xf32>
      %swap3A_58 = vector.shape_cast %div3A_55 : vector<16xf32> to vector<16xf32>
      tpu.vector_store %arg9[%swap3A], %swap3A_58 {strides = array<i32>} : memref<512xf32, #tpu.memory_space<vmem>>, vector<16xf32>,
      %scan3A_59 = arith.constant 0 : i32
      scf.yield %scan3A_59 : i32
    }
    %scan3A_34 = arith.constant 32 : i32
    %dma_start3A_35 = tpu.memref_slice %arg4[%mul3A_2] : memref<16384xf32, #tpu.memory_space<hbm>> -> memref<512xf32, #tpu.memory_space<hbm>>
    %dma_start3A_36 = tpu.memref_slice %arg4[%mul3A_2] : memref<16384xf32, #tpu.memory_space<hbm>> -> memref<512xf32, #tpu.memory_space<hbm>>
    tpu.enqueue_dma source(%arg9 : memref<512xf32, #tpu.memory_space<vmem>>) target(%dma_start3A_36 : memref<512xf32, #tpu.memory_space<hbm>>) target_semaphore(%arg10 : memref<!tpu.dma_semaphore, #tpu.memory_space<semaphore_mem>>)
    %dma_wait3A_37 = tpu.memref_slice %arg4[%mul3A_2] : memref<16384xf32, #tpu.memory_space<hbm>> -> memref<512xf32, #tpu.memory_space<hbm>>
    %dma_wait3A_38 = tpu.memref_slice %arg4[%mul3A_2] : memref<16384xf32, #tpu.memory_space<hbm>> -> memref<512xf32, #tpu.memory_space<hbm>>
    tpu.wait_dma2 semaphore(%arg10 : memref<!tpu.dma_semaphore, #tpu.memory_space<semaphore_mem>>) src(%arg9 : memref<512xf32, #tpu.memory_space<vmem>>) dst(%dma_wait3A_38 : memref<512xf32, #tpu.memory_space<hbm>>)
    return
  }
}

</mosaic_0001>

<sc_bundles>
// kernel: kernel.3.cloned.1.call-start
scs
__scs_entry_jumppad:
0x0: {  	(pc) =	sbr.rel $0x88, $3  }
0x1: {  	(tag) =	ssettag $0x0;
	lr =	simm.s32 $0x1  }
0x2: {  	[smem:$0x3F9F] =	sst lr;
	_ =	strace $0xD0000000  }
0x3: {  	_ = 	snop  }
0x4: {  	_ = 	snop  }
0x5: {  	_ = 	snop  }
0x6: {  	_ = 	snop  }
0x7: {  	_ = 	snop  }
__scs_overlays_trampoline_lowered:
0x8: {  	[smem:$0x3FAE] =	sst s0  }
0x9: {  	[smem:$0x3FAF] =	sst s1  }
0xa: {  	[smem:$0x3FB0] =	sst s2  }
0xb: {  	[smem:$0x3FB1] =	sst s3  }
0xc: {  	[smem:$0x3FB2] =	sst s4  }
0xd: {  	[smem:$0x3FB3] =	sst s5  }
0xe: {  	[smem:$0x3FB4] =	sst s6  }
0xf: {  	[smem:$0x3FB5] =	sst s7  }
0x10: {  	[smem:$0x3FB6] =	sst s8  }
0x11: {  	[smem:$0x3FB7] =	sst s9;
	s0 =	simm.s32 @!p0 $0x0  }
0x12: {  	s1 =	sld [smem:$0x3F9D];
	s0 =	simm.s32 @p0 $0x1  }
0x13: {  	[smem:$0x3FB8] =	sst s0;
	s0 =	simm.s32 @!p1 $0x0  }
0x14: {  	s2 =	sld [smem:$0x3F9C];
	s0 =	simm.s32 @p1 $0x1  }
0x15: {  	[smem:$0x3FB9] =	sst s0;
	s0 =	simm.s32 @!p2 $0x0  }
0x16: {  	s3 =	sld [smem:$0x3FDB];
	s0 =	simm.s32 @p2 $0x1  }
0x17: {  	s4 =	simm.s32 $0x1BF5;
	[smem:$0x3FBB] =	sst s0  }
0x18: {  	s0 =	sld [smem:$0x3F9E];
	_ =	swait.ge [sflag:s4], $0x0  }
0x19: {  	s7 =	sld [smem:$0x3F9F]  }
0x1a: {  	s8 =	sadd.s32 $0xFFFFE003, lr  }
0x1b: {  	s9 =	sadd.s32 $0xFFFFFEF7, lr;
	s5 =	simm.s32 $0xFFFFFFFF;
	p2 =	slt.u32 s8, $0xFFFFF086  }
0x1c: {  	p1 =	slt.u32 s9, $0xF7A;
	s5 =	simm.s32 @!p2 $0x0  }
0x1d: {  	s5 =	simm.s32 @p1 $0x1;
	p0 =	seq.s32 s7, s2  }
0x1e: {  	s7 =	smul.u32 @!p0 $0xF7A, s2;
	p2 =	seq.s32 @!p0 s5, $0x0  }
0x1f: {  	s9 =	smul.u32 $0xF7A, s1;
	s8 =	simm.s32 @!p0 $0x1BF5;
	p2 =	por !p2, p0  }
0x20: {  	[sflag:s8] =	ssyncset.s32 @!p0 $0xFFFFF086;
	s6 =	sadd.s32 @!p0 s3, s7;
	s7 =	simm.s32 @!p0 $0x108  }
0x21: {  	s3 =	sadd.s32 s3, s9;
	s6 =	sadd.s32 @!p0 $0x88, s6;
	s7 =	simm.s32 @p2 $0x1082  }
0x22: {  	[simem:s7], [sflag:s8] =	dma.local @!p0 [hbm:s6], $0xF7A  }
0x23: {  	s9 =	sor.u32 $0xD0000000, s2;
	s6 =	simm.s32 $0x108;
	_ =	swait.ge @!p0 [sflag:s8], $0x0  }
0x24: {  	s3 =	sadd.s32 $0x88, s3;
	s6 =	simm.s32 @!p1 $0x1082;
	[sflag:s4] =	ssyncset.s32 $0xFFFFF086  }
0x25: {  	[simem:s6], [sflag:s4] =	dma.local [hbm:s3], $0xF7A  }
0x26: {  	[smem:$0x3F9F] =	sst s1;
	(tag) =	ssettag s2;
	_ =	strace s9  }
0x27: {  	s1 =	sld [smem:$0x3FAF]  }
0x28: {  	s2 =	sld [smem:$0x3FB0]  }
0x29: {  	s4 =	sld [smem:$0x3FB2]  }
0x2a: {  	p0 =	seq.s32 s5, $0x0;
	s5 =	sld [smem:$0x3FB3]  }
0x2b: {  	s6 =	sld [smem:$0x3FB4]  }
0x2c: {  	s7 =	sld [smem:$0x3FB5]  }
0x2d: {  	s3 =	simm.s32 $0x108;
	s8 =	sld [smem:$0x3FB6]  }
0x2e: {  	s3 =	simm.s32 @!p0 $0x1082;
	s9 =	sld [smem:$0x3FB7]  }
0x2f: {  	lr =	sadd.s32 s0, s3;
	s0 =	sld [smem:$0x3FAE]  }
0x30: {  	s3 =	sld [smem:$0x3FB1]  }
0x31: {  	[smem:$0x3FBA] =	sst s10  }
0x32: {  	s10 =	sld [smem:$0x3FB8];
	_ =	sdelay $0x3  }
0x33: {  	p0 =	seq.s32 s10, $0x1;
	s10 =	sld [smem:$0x3FBA];
	_ =	sdelay $0x3  }
0x34: {  	[smem:$0x3FBA] =	sst s10  }
0x35: {  	s10 =	sld [smem:$0x3FB9];
	_ =	sdelay $0x3  }
0x36: {  	p1 =	seq.s32 s10, $0x1;
	s10 =	sld [smem:$0x3FBA];
	_ =	sdelay $0x3  }
0x37: {  	[smem:$0x3FBA] =	sst s10  }
0x38: {  	s10 =	sld [smem:$0x3FBB]  }
0x39: {  	_ = 	snop;
	(pc) =	sbr.ind lr, $3  }
0x3a: {  	_ = 	snop  }
0x3b: {  	_ = 	snop  }
0x3c: {  	p2 =	seq.s32 s10, $0x1;
	s10 =	sld [smem:$0x3FBA]  }
0x3d: {  	_ =	shalt  }
0x3e: {  	_ =	shalt  }
0x3f: {  	_ =	shalt  }
0x40: {  	_ =	shalt  }
0x41: {  	_ =	shalt  }
0x42: {  	_ =	shalt  }
0x43: {  	_ =	shalt  }
0x44: {  	_ =	shalt  }
0x45: {  	_ =	shalt  }
0x46: {  	_ =	shalt  }
0x47: {  	_ =	shalt  }
0x48: {  	_ =	shalt  }
0x49: {  	_ =	shalt  }
0x4a: {  	_ =	shalt  }
0x4b: {  	_ =	shalt  }
0x4c: {  	_ =	shalt  }
0x4d: {  	_ =	shalt  }
0x4e: {  	_ =	shalt  }
0x4f: {  	_ =	shalt  }
0x50: {  	_ =	shalt  }
0x51: {  	_ =	shalt  }
0x52: {  	_ =	shalt  }
0x53: {  	_ =	shalt  }
0x54: {  	_ =	shalt  }
0x55: {  	_ =	shalt  }
0x56: {  	_ =	shalt  }
0x57: {  	_ =	shalt  }
0x58: {  	_ =	shalt  }
0x59: {  	_ =	shalt  }
0x5a: {  	_ =	shalt  }
0x5b: {  	_ =	shalt  }
0x5c: {  	_ =	shalt  }
0x5d: {  	_ =	shalt  }
0x5e: {  	_ =	shalt  }
0x5f: {  	_ =	shalt  }
0x60: {  	_ =	shalt  }
0x61: {  	_ =	shalt  }
0x62: {  	_ =	shalt  }
0x63: {  	_ =	shalt  }
0x64: {  	_ =	shalt  }
0x65: {  	_ =	shalt  }
0x66: {  	_ =	shalt  }
0x67: {  	_ =	shalt  }
0x68: {  	_ =	shalt  }
0x69: {  	_ =	shalt  }
0x6a: {  	_ =	shalt  }
0x6b: {  	_ =	shalt  }
0x6c: {  	_ =	shalt  }
0x6d: {  	_ =	shalt  }
0x6e: {  	_ =	shalt  }
0x6f: {  	_ =	shalt  }
0x70: {  	_ =	shalt  }
0x71: {  	_ =	shalt  }
0x72: {  	_ =	shalt  }
0x73: {  	_ =	shalt  }
0x74: {  	_ =	shalt  }
0x75: {  	_ =	shalt  }
0x76: {  	_ =	shalt  }
0x77: {  	_ =	shalt  }
0x78: {  	_ =	shalt  }
0x79: {  	_ =	shalt  }
0x7a: {  	_ =	shalt  }
0x7b: {  	_ =	shalt  }
0x7c: {  	_ =	shalt  }
0x7d: {  	_ =	shalt  }
0x7e: {  	_ =	shalt  }
0x7f: {  	_ =	shalt  }
0x80: {  	_ =	shalt  }
0x81: {  	_ =	shalt  }
0x82: {  	_ =	shalt  }
0x83: {  	_ =	shalt  }
0x84: {  	_ =	shalt  }
0x85: {  	_ =	shalt  }
0x86: {  	_ =	shalt  }
0x87: {  	_ =	shalt  }
.Lfunc_end0:
.L_simem_size_0:
called_computation_lowered:
.L_overlay_start_0:
0x88: {  	s2 =	sld [smem:$0x3FD9]  }
0x89: {  	s3 =	sld [smem:$0x3FFE];
	_ =	sdelay $0x1  }
0x8a: {  	s1 =	srdreg.scid  }
0x8b: {  	s0 =	sand.u32 $0x1, s1  }
0x8c: {  	s18 =	sshll.u32 s0, $0xA;
	s2 =	sadd.s32 s3, s2  }
0x8d: {  	s2 =	sadd.s32 s2, s18  }
0x8e: {  	[smem:$0x3FC6] =	sst s2  }
0x8f: {  	_ = 	snop  }
0x90: {  	s2 =	sld [smem:$0x3FC9]  }
0x91: {  	s19 =	sld [smem:$0x3FC8]  }
0x92: {  	s4 =	sld [smem:$0x3FD0];
	(tm) =	ssettm $0x1  }
0x93: {  	s5 =	sld [smem:$0x3FFB];
	_ =	sdelay $0x3  }
0x94: {  	_ =	strace s5  }
0x95: {  	s5 =	sld [smem:$0x3FFC];
	_ =	sdelay $0x3  }
0x96: {  	_ =	strace s5  }
0x97: {  	s5 =	sld [smem:$0x3FFD];
	_ =	sdelay $0x3  }
0x98: {  	_ =	strace s5  }
0x99: {  	_ =	strace $0x8FFFFFFF  }
0x9a: {  	s20 =	sld [smem:$0x3FDB];
	_ =	sdelay $0x1  }
0x9b: {  	s6 =	simm.s32 $_scs_section_size  }
0x9c: {  	s7 =	simm.s32 $_size__tile_overlayer_lowered;
	s8 =	simm.s32 $_tile_overlayer_lowered  }
0x9d: {  	s23 =	simm.s32 $0x1BFF;
	s22 =	sshll.u32 s8, $0x1;
	s5 =	sadd.s32 s6, s20  }
0x9e: {  	s9 =	simm.s32 $0x0;
	s21 =	sshll.u32 s7, $0x1;
	s7 =	sadd.s32 s22, s5  }
0x9f: {  	[timem:s9], [sflag:s23] =	dma.local [hbm:s7], s21  }
0xa0: {  	_ =	swait.ge [sflag:s23], s21  }
0xa1: {  	s6 =	ssub.s32 $0x0, s21;
	[sflag:s23] =	ssyncset.done $0x0  }
0xa2: {  	[sflag:s23] =	ssyncadd.s32 s6;
	_ =	sdelay $0x1  }
0xa3: {  	s24 =	simm.s32 $0x1B8B  }
0xa4: {  	_ =	swait.ge [sflag:s24], $0x1  }
0xa5: {  	[sflag:s24] =	ssyncset.done $0x0  }
0xa6: {  	s25 =	simm.s32 $0x1B8E;
	[sflag:s24] =	ssyncadd.s32 $0xFFFFFFFF  }
0xa7: {  	s26 =	simm.s32 $execute0_lowered;
	[smem:$0x3FD2] =	sst s25  }
0xa8: {  	s6 =	sshll.u32 s26, $0x1;
	_ =	strace $0x80000046;
	[dreg:$0x1] =	wrdreg $0xFFFFFFFF  }
0xa9: {  	s28 =	simm.s32 $_size_execute0_lowered;
	s5 =	sadd.s32 s5, s6;
	[dreg:$0x0] =	wrdreg $0x0  }
0xaa: {  	s6 =	sshll.u32 s28, $0x1;
	[dreg:$0x2] =	wrdreg s5  }
0xab: {  	[dreg:$0x3] =	wrdreg s6  }
0xac: {  	[dreg:$0x4] =	wrdreg $0xC0  }
0xad: {  	_ =	task [dreg:s9], $0x5FFFF  }
0xae: {  	[dreg:$0x1] =	wrdreg $0xFFFFFFFF  }
0xaf: {  	[dreg:$0x0] =	wrdreg $0x60  }
0xb0: {  	[dreg:$0x2] =	wrdreg s2  }
0xb1: {  	[dreg:$0x3] =	wrdreg s19  }
0xb2: {  	[dreg:$0x4] =	wrdreg s4  }
0xb3: {  	[dreg:$0x5] =	wrdreg $0x9  }
0xb4: {  	_ =	task.clear_ibuf [dreg:s9], $0x6FFFF;
	_ =	strace $0x90000046  }
0xb5: {  	s29 =	simm.s32 $0x9;
	_ =	strace $0x80000048  }
0xb6: {  	_ =	swait.ge [sflag:s29], $0x1  }
0xb7: {  	[sflag:s29] =	ssyncadd.s32 $0xFFFFFFFF  }
0xb8: {  	_ =	strace $0x90000048  }
0xb9: {  	_ =	sfence  }
0xba: {  	s30 =	sld [smem:$0x0];
	_ =	sdelay $0x2  }
0xbb: {  	s31 =	sshll.u32 s1, $0xD;
	s1 =	sshrl.u32 s1, $0x2  }
0xbc: {  	s3 =	sand.u32 $0x4000, s31;
	s1 =	sadd.s32 s1, s30  }
0xbd: {  	s0 =	sor.u32 s3, s0;
	s1 =	sshll.u32 s1, $0x11  }
0xbe: {  	s0 =	sor.u32 s1, s0  }
0xbf: {  	s0 =	sadd.s32 $0x8F2B, s0  }
0xc0: {  	[sflag:s0] =	ssyncadd.remote.s32 $0x1  }
0xc1: {  	_ =	sfence.sel $0xFFFF  }
0xc2: {  	[dreg:$0x0] =	wrdreg $0xFFFFFFFF;
	(pc) =	sbr.abs _section_cstart, $3  }
0xc3: {  	[dreg:$0x1] =	wrdreg $0xFFFFFFFF  }
0xc4: {  	_ =	task.clear_ibuf [dreg:s9], $0x2FFFF;
	_ =	strace $0x9FFFFFFF  }
0xc5: {  	(tm) =	ssettm $0x7FFFFFFF  }
tec
execute0_lowered:
.L_overlay_start_1:
0x0: {  	(tag) =	ssettag $0x1  }
0x1: {  	s4 =	rddreg [dreg:$0x0]  }
0x2: {  	s2 =	rddreg [dreg:$0x1]  }
0x3: {  	s6 =	rddreg [dreg:$0x2];
	s3 =	srdreg.scid  }
0x4: {  	s0 =	rddreg [dreg:$0x3];
	s1 =	stileid.u32;
	s10 =	simm.s32 $0x200  }
0x5: {  	s11 =	simm.s32 $0x1;
	s12 =	simm.s32 $0x400;
	s13 =	simm.s32 $0x2  }
0x6: {  	s14 =	simm.s32 $0x600;
	s15 =	simm.s32 $0x800;
	s16 =	simm.s32 $0x0  }
0x7: {  	s5 =	sand.u32 $0x1, s3;
	s3 =	simm.s32 $0x0;
	s7 =	sshll.u32 s1, $0xA  }
0x8: {  	s8 =	sshll.u32 s5, $0x9;
	[smem:$0x7FF] =	sst s3;
	s5 =	ssub.s32 $0x2, s5  }
0x9: {  	s7 =	sor.u32 s8, s7;
	_ =	strace $0x80000047;
	s31 =	sshrl.u32 s5, $0x1  }
0xa: {  	s9 =	sshrl.u32 s7, $0x2;
	s8 =	ssub.s32 s5, s31;
	s7 =	sshrl.u32 s7, $0x3  }
0xb: {  	s4 =	sadd.s32 s4, s9;
	s6 =	sadd.s32 s6, s7;
	s7 =	smax.u32 s8, $0x1  }
0xc: {  	s8 =	simm.s32 $0x80;
	s9 =	simm.s32 $0x100;
	s5 =	sadd.s32 $0x10, s4  }
.LBB2_1:
0xd: {  	[tilespmem:s3], [sflag:$0x1] =	stream.strided.gather [hbm4b:s4+s8], $0x200, s9, s8, $0x38;
	[tilespmem:$0xA00] =	vst v63  }
0xe: {  	_ = 	snop  }
0xf: {  	[tilespmem:s10], [sflag:$0x2] =	stream.strided.gather [hbm4b:s5+s8], $0x200, s9, s8, $0x38;
	[tilespmem:$0xA00] =	vst v63  }
0x10: {  	_ =	swait.ge [sflag:s11], $0x200  }
0x11: {  	[sflag:s11] =	ssyncset.done $0x0  }
0x12: {  	[sflag:s11] =	ssyncadd.s32 $0xFFFFFE00  }
0x13: {  	[tilespmem:s12], [sflag:$0x1] =	stream.indirect.gather [hbm4b:s2+s10], $0x1, s3, s10, $0xb8;
	[tilespmem:$0xA00] =	vst v63  }
0x14: {  	_ =	swait.ge [sflag:s13], $0x200  }
0x15: {  	[sflag:s13] =	ssyncset.done $0x0  }
0x16: {  	[sflag:s13] =	ssyncadd.s32 $0xFFFFFE00  }
0x17: {  	[tilespmem:s14], [sflag:$0x2] =	stream.indirect.gather [hbm4b:s2+s10], $0x1, s10, s10, $0xb8;
	[tilespmem:$0xA00] =	vst v63  }
0x18: {  	_ =	swait.ge [sflag:s11], $0x200  }
0x19: {  	[sflag:s11] =	ssyncset.done $0x0  }
0x1a: {  	[sflag:s11] =	ssyncadd.s32 $0xFFFFFE00  }
0x1b: {  	_ =	swait.ge [sflag:s13], $0x200  }
0x1c: {  	[sflag:s13] =	ssyncset.done $0x0  }
0x1d: {  	s17 =	simm.s32 $0x0;
	[sflag:s13] =	ssyncadd.s32 $0xFFFFFE00  }
0x1e: {  	v0 =	vld [tilespmem:s17+$0x400]  }
0x1f: {  	v1 =	vld [tilespmem:s17+$0x600];
	_ =	sdelay $0x4  }
0x20: {  	s18 =	simm.s32 $0x10;
	v0 =	vsub.f32 v1, v0  }
0x21: {  	v2 =	vld [tilespmem:s18+$0x600]  }
0x22: {  	v1 =	vld [tilespmem:s18+$0x400];
	v0 =	vmul.f32 $5.756462920e-03, v0;
	_ =	sdelay $0x1  }
0x23: {  	s19 =	simm.s32 $0x20;
	v0 =	vmul.f32 $1.442695020e+00, v0  }
0x24: {  	v3 =	vld [tilespmem:s19+$0x400]  }
0x25: {  	(erf) = vpow2.f32 v0;
	v0 =	vld [tilespmem:s19+$0x600]  }
0x26: {  	v1 =	vsub.f32 v2, v1;
	_ =	sdelay $0x1  }
0x27: {  	v1 =	vmul.f32 $5.756462920e-03, v1;
	_ =	sdelay $0x1  }
0x28: {  	s20 =	simm.s32 $0x30;
	v1 =	vmul.f32 $1.442695020e+00, v1;
	v0 =	vsub.f32 v0, v3  }
0x29: {  	v2 =	vld [tilespmem:s20+$0x400]  }
0x2a: {  	(erf) = vpow2.f32 v1;
	v1 =	vld [tilespmem:s20+$0x600];
	v0 =	vmul.f32 $5.756462920e-03, v0;
	_ =	sdelay $0x1  }
0x2b: {  	v3 =	vpop (erf);
	v0 =	vmul.f32 $1.442695020e+00, v0  }
0x2c: {  	s21 =	simm.s32 $0x40;
	v3 =	vadd.f32 $1.000000000e+00, v3  }
0x2d: {  	v4 =	vld [tilespmem:s21+$0x400];
	(erf) = vpow2.f32 v0  }
0x2e: {  	v1 =	vsub.f32 v1, v2;
	v0 =	vld [tilespmem:s21+$0x600];
	(erf) = vrcp.f32 v3;
	_ =	sdelay $0x1  }
0x2f: {  	v1 =	vmul.f32 $5.756462920e-03, v1;
	_ =	sdelay $0x1  }
0x30: {  	v2 =	vpop (erf);
	v1 =	vmul.f32 $1.442695020e+00, v1  }
0x31: {  	s22 =	simm.s32 $0x50;
	v2 =	vadd.f32 $1.000000000e+00, v2;
	v0 =	vsub.f32 v0, v4  }
0x32: {  	(erf) = vpow2.f32 v1;
	v1 =	vld [tilespmem:s22+$0x600]  }
0x33: {  	(erf) = vrcp.f32 v2;
	v3 =	vmul.f32 $5.756462920e-03, v0;
	v0 =	vld [tilespmem:s22+$0x400]  }
0x34: {  	v4 =	vpop (erf)  }
0x35: {  	s23 =	simm.s32 $0x180;
	v3 =	vmul.f32 $1.442695020e+00, v3;
	v2 =	vpop (erf)  }
.LBB2_2:
0x36: {  	s24 =	sshra.s32 s23, $0x2  }
0x37: {  	v4 =	vadd.f32 $1.000000000e+00, v4;
	[tilespmem:s17+$0x800] =	vst v2;
	s17 =	smov.u32 s18;
	s18 =	smov.u32 s19;
	p0 =	sne.s32 s23, $0x7C0  }
.Ltmp0:
0x38: {  	s19 =	smov.u32 s20;
	s20 =	smov.u32 s21;
	v2 =	vsub.f32 v1, v0;
	v0 =	vld [tilespmem:s24+$0x400];
	(erf) = vpow2.f32 v3;
	(pc) =	sbr.rel @p0 .LBB2_2-.Ltmp0, $4  }
0x39: {  	s23 =	sadd.s32 $0x40, s23;
	s21 =	smov.u32 s22;
	v1 =	vld [tilespmem:s24+$0x600];
	(erf) = vrcp.f32 v4  }
0x3a: {  	s22 =	smov.u32 s24;
	v5 =	vmul.f32 $5.756462920e-03, v2  }
0x3b: {  	v4 =	vpop (erf)  }
0x3c: {  	v3 =	vmul.f32 $1.442695020e+00, v5;
	v2 =	vpop (erf)  }
0x3d: {  	_ = 	snop  }
0x3e: {  	v0 =	vsub.f32 v1, v0;
	_ =	sdelay $0x1  }
0x3f: {  	v0 =	vmul.f32 $5.756462920e-03, v0  }
0x40: {  	v56 =	vadd.f32 $1.000000000e+00, v4  }
0x41: {  	(erf) = vpow2.f32 v3;
	v0 =	vmul.f32 $1.442695020e+00, v0  }
0x42: {  	(erf) = vrcp.f32 v56  }
0x43: {  	(erf) = vpow2.f32 v0;
	_ =	sdelay $0x4  }
0x44: {  	v57 =	vpop (erf)  }
0x45: {  	v58 =	vpop (erf)  }
0x46: {  	v3 =	vpop (erf)  }
0x47: {  	v0 =	vadd.f32 $1.000000000e+00, v57;
	v59 =	vpop (erf)  }
0x48: {  	v3 =	vadd.f32 $1.000000000e+00, v3;
	v5 =	vpop (erf)  }
0x49: {  	(erf) = vrcp.f32 v0;
	v60 =	vadd.f32 $1.000000000e+00, v5  }
0x4a: {  	(erf) = vrcp.f32 v3  }
0x4b: {  	(erf) = vrcp.f32 v60;
	_ =	sdelay $0x4  }
0x4c: {  	[tilespmem:s17+$0x800] =	vst v2  }
0x4d: {  	[tilespmem:s18+$0x800] =	vst v58  }
0x4e: {  	[tilespmem:s19+$0x800] =	vst v59;
	v61 =	vpop (erf)  }
0x4f: {  	s16 =	sadd.s32 $0x1, s16;
	[tilespmem:s20+$0x800] =	vst v61;
	v62 =	vpop (erf)  }
0x50: {  	p0 =	sne.s32 s16, s7;
	[tilespmem:s21+$0x800] =	vst v62;
	v63 =	vpop (erf)  }
.Ltmp1:
0x51: {  	[tilespmem:s22+$0x800] =	vst v63;
	(pc) =	sbr.rel @p0 .LBB2_1-.Ltmp1, $4  }
0x52: {  	[hbm4b:s6+s3] =	stream.linear.scatter [tilespmem:s15], [sflag:$0x1], $0x200, $0x38;
	[tilespmem:$0xA00] =	vst v63  }
0x53: {  	_ =	swait.ge [sflag:s11], $0x200  }
0x54: {  	[sflag:s11] =	ssyncset.done $0x0  }
0x55: {  	[sflag:s11] =	ssyncadd.s32 $0xFFFFFE00  }
0x56: {  	_ =	sfence.sel $0x180000  }
0x57: {  	[bflag:$0x0] =	sbarrier.arrive $0xFFFF  }
0x58: {  	p0 =	sne.s32 s1, $0x0;
	_ =	strace $0x90000047  }
0x59: {  	s0 =	sadd.s32 @!p0 $0x100000, s0;
	[bflag:$0x2] =	sbarrier.arrive $0xFFFF  }
0x5a: {  	[sflag:s0] =	ssyncadd.tile.s32 @!p0 $0x1;
	_ =	shalt  }
.Lfunc_end2:
_tile_overlayer_lowered:
.L_overlay_start_2:
0x5b: {  	(tag) =	ssettag $0x2  }
0x5c: {  	s0 =	rddreg [dreg:$0x0];
	s2 =	stileid.u32  }
0x5d: {  	s1 =	rddreg [dreg:$0x1];
	p0 =	sne.s32 s2, $0x0  }
0x5e: {  	s3 =	rddreg [dreg:$0x2];
	[bflag:$0x3] =	sbarrier.arrive $0xFFFF;
	s2 =	simm.s32 @!p0 $0x1C03  }
0x5f: {  	[timem:s3], [sflag:s2] =	dma.local @!p0 [hbm:s0], s1  }
0x60: {  	s0 =	simm.s32 @!p0 $0x3  }
0x61: {  	_ =	swait.ge @!p0 [sflag:s0], s1  }
0x62: {  	s1 =	ssub.s32 @!p0 $0x0, s1;
	[sflag:s0] =	ssyncset.done @!p0 $0x0  }
0x63: {  	[sflag:s0] =	ssyncadd.s32 @!p0 s1  }
0x64: {  	[bflag:$0x3] =	sbarrier.arrive $0xFFFF  }
0x65: {  	_ =	shalt  }

</sc_bundles>
